<compile_context>
chip_gen: v7x
topology: tpu7x:2x2x1
jax: 0.10.2.dev20260603
libtpu: 0.0.44.dev20260713+nightly
codegen_flags: <defaults>
</compile_context>

<pallas_src>
import functools

import jax
import jax.numpy as jnp
from jax import lax
from jax.experimental import pallas as pl
from jax.experimental.pallas import tpu as pltpu
from jax.experimental.pallas import tpu_sc as plsc


def _rowsum_tc(table_t, v_pad):
    E, V = table_t.shape
    BLK = 25600
    assert v_pad % BLK == 0
    grid = (v_pad // BLK,)

    def body(t_ref, o_hbm, acc_v, sem):
        i = pl.program_id(0)
        acc_v[...] = jnp.sum(t_ref[...], axis=0)
        cp = pltpu.make_async_copy(acc_v, o_hbm.at[pl.ds(i * BLK, BLK)], sem)
        cp.start()
        cp.wait()

    return pl.pallas_call(
        body,
        grid=grid,
        in_specs=[pl.BlockSpec((E, BLK), lambda i: (0, i))],
        out_specs=pl.BlockSpec(memory_space=pl.ANY),
        out_shape=jax.ShapeDtypeStruct((v_pad,), jnp.float32),
        scratch_shapes=[
            pltpu.VMEM((BLK,), jnp.float32),
            pltpu.SemaphoreType.DMA,
        ],
    )(table_t)


def _gather_scale_sc(rowsum, idx_flat, w_flat):
    VP = rowsum.shape[0]
    TOT = idx_flat.shape[0]
    info = plsc.get_sparse_core_info()
    NC, NS, L = info.num_cores, info.num_subcores, info.num_lanes
    NW = NC * NS
    CHUNK = TOT // NW
    SLICE = VP // NS
    assert CHUNK * NW == TOT and CHUNK % L == 0
    assert SLICE * NS == VP and SLICE % 8 == 0

    mesh = plsc.VectorSubcoreMesh(core_axis_name="c", subcore_axis_name="s")

    @functools.partial(
        pl.kernel,
        mesh=mesh,
        compiler_params=pltpu.CompilerParams(needs_layout_passes=False),
        out_type=jax.ShapeDtypeStruct((TOT,), jnp.float32),
        scratch_types=[
            pltpu.VMEM_SHARED((VP,), jnp.float32),
            pltpu.VMEM((SLICE,), jnp.float32),
            pltpu.VMEM((CHUNK,), jnp.int32),
            pltpu.VMEM((CHUNK,), jnp.float32),
            pltpu.VMEM((CHUNK,), jnp.float32),
            pltpu.SemaphoreType.DMA,
            pltpu.SemaphoreType.DMA,
            pltpu.SemaphoreType.DMA,
        ],
    )
    def k(rowsum_hbm, idx_hbm, w_hbm, out_hbm, rs_sp, sl_v, idx_v, w_v, o_v,
          sem_rs, sem_idx, sem_w):
        cid = lax.axis_index("c")
        sid = lax.axis_index("s")
        wid = sid * NC + cid
        base = wid * CHUNK
        sbase = sid * SLICE
        rs_cp = pltpu.async_copy(rowsum_hbm.at[pl.ds(sbase, SLICE)],
                                 sl_v, sem_rs)
        idx_cp = pltpu.async_copy(idx_hbm.at[pl.ds(base, CHUNK)], idx_v, sem_idx)
        w_cp = pltpu.async_copy(w_hbm.at[pl.ds(base, CHUNK)], w_v, sem_w)
        rs_cp.wait()
        pltpu.sync_copy(sl_v, rs_sp.at[pl.ds(sbase, SLICE)])
        idx_cp.wait()
        plsc.subcore_barrier()
        pltpu.async_copy(rs_sp.at[idx_v], o_v, sem_rs).wait()
        w_cp.wait()

        @plsc.parallel_loop(0, CHUNK, L, unroll=8)
        def _(off):
            o_v[pl.ds(off, L)] = o_v[pl.ds(off, L)] * w_v[pl.ds(off, L)]

        pltpu.sync_copy(o_v, out_hbm.at[pl.ds(base, CHUNK)])

    return k(rowsum, idx_flat, w_flat)


def kernel(indices, weights, table):
    B, N = indices.shape
    V = table.shape[0]
    VP = ((V + 25600 - 1) // 25600) * 25600
    rowsum = _rowsum_tc(table.T, VP)
    idx_flat = indices.T.astype(jnp.int32).reshape(B * N)
    w_flat = weights.transpose(1, 2, 0).reshape(B * N)
    out_flat = _gather_scale_sc(rowsum, idx_flat, w_flat)
    return out_flat.reshape(N, B).T

# --- scband reference (transcript-rebuilt; emitter-appended) ---
"""Pipeline reference for scband-weighted-bag-embedding-58626303591144 (READ-ONLY COPY).

The authoritative reference and input builder live on the scoring server;
editing this copy changes nothing except your own understanding.
"""

import jax, jax.numpy as jnp
import numpy as np

VOCAB = 100000
EMB = 64
B = 4096
N = 50

def setup_inputs(seed: int = 0) -> dict:
    key = jax.random.key(seed)
    k1, k2, k3 = jax.random.split(key, 3)
    indices = jax.random.randint(k1, (B, N), 0, VOCAB, dtype=jnp.int64 if jax.config.jax_enable_x64 else jnp.int32)
    weights = jax.random.normal(k2, (B, N, 1), dtype=jnp.float32)
    table = jax.random.normal(k3, (VOCAB, EMB), dtype=jnp.float32) * 0.02
    return {"indices": indices, "weights": weights, "table": table}

def reference(indices, weights, table):
    # embeddings: [B, N, EMB]
    embeddings = jnp.take(table, indices, axis=0)
    # weights broadcast: [B, N, 1] * [B, N, EMB] -> [B, N, EMB]
    # sum over last dim (embedding dim), matching torch.sum(..., dim=-1)
    weighted_embedding = jnp.sum(embeddings * weights, axis=-1)
    return weighted_embedding

if __name__ == "__main__":
    import jax
    _d = setup_inputs()
    print(jax.jit(kernel)(*tuple(_d.values())))

</pallas_src>

<mosaic_0001>
#map = affine_map<(d0, d1) -> (0)>
module attributes {stable_mosaic.version = 14 : i64} {
  func.func @k(%arg0: i32, %arg1: i32, %arg2: memref<102400xf32, #tpu.memory_space<hbm>>, %arg3: memref<204800xi32, #tpu.memory_space<hbm>>, %arg4: memref<204800xf32, #tpu.memory_space<hbm>>, %arg5: memref<204800xf32, #tpu.memory_space<hbm>>, %arg6: memref<102400xf32, #tpu.memory_space<vmem_shared>>, %arg7: memref<6400xf32, #tpu.memory_space<vmem>>, %arg8: memref<6400xi32, #tpu.memory_space<vmem>>, %arg9: memref<6400xf32, #tpu.memory_space<vmem>>, %arg10: memref<6400xf32, #tpu.memory_space<vmem>>, %arg11: memref<!tpu.dma_semaphore, #tpu.memory_space<semaphore_mem>>, %arg12: memref<!tpu.dma_semaphore, #tpu.memory_space<semaphore_mem>>, %arg13: memref<!tpu.dma_semaphore, #tpu.memory_space<semaphore_mem>>) attributes {dimension_semantics = [#tpu.dimension_semantics<core_parallel>, #tpu.dimension_semantics<subcore_parallel>], iteration_bounds = array<i64: 2, 16>, scalar_prefetch = 0 : i64, scratch_operands = 8 : i64, tpu.core_type = #tpu.core_type<sc_vector_subcore>, window_params = [{transform_indices = #map}, {transform_indices = #map}, {transform_indices = #map}, {transform_indices = #map}]} {
    %mul3A = arith.constant 2 : i32
    %mul3A_0 = arith.muli %arg1, %mul3A : i32
    %add3A = arith.addi %mul3A_0, %arg0 : i32
    %mul3A_1 = arith.constant 6400 : i32
    %mul3A_2 = arith.muli %add3A, %mul3A_1 : i32
    %mul3A_3 = arith.constant 6400 : i32
    %mul3A_4 = arith.muli %arg1, %mul3A_3 : i32
    %dma_start3A = tpu.memref_slice %arg2[%mul3A_4] : memref<102400xf32, #tpu.memory_space<hbm>> -> memref<6400xf32, #tpu.memory_space<hbm>>
    %dma_start3A_5 = tpu.memref_slice %arg2[%mul3A_4] : memref<102400xf32, #tpu.memory_space<hbm>> -> memref<6400xf32, #tpu.memory_space<hbm>>
    tpu.enqueue_dma source(%dma_start3A_5 : memref<6400xf32, #tpu.memory_space<hbm>>) target(%arg7 : memref<6400xf32, #tpu.memory_space<vmem>>) target_semaphore(%arg11 : memref<!tpu.dma_semaphore, #tpu.memory_space<semaphore_mem>>)
    %dma_start3A_6 = tpu.memref_slice %arg3[%mul3A_2] : memref<204800xi32, #tpu.memory_space<hbm>> -> memref<6400xi32, #tpu.memory_space<hbm>>
    %dma_start3A_7 = tpu.memref_slice %arg3[%mul3A_2] : memref<204800xi32, #tpu.memory_space<hbm>> -> memref<6400xi32, #tpu.memory_space<hbm>>
    tpu.enqueue_dma source(%dma_start3A_7 : memref<6400xi32, #tpu.memory_space<hbm>>) target(%arg8 : memref<6400xi32, #tpu.memory_space<vmem>>) target_semaphore(%arg12 : memref<!tpu.dma_semaphore, #tpu.memory_space<semaphore_mem>>)
    %dma_start3A_8 = tpu.memref_slice %arg4[%mul3A_2] : memref<204800xf32, #tpu.memory_space<hbm>> -> memref<6400xf32, #tpu.memory_space<hbm>>
    %dma_start3A_9 = tpu.memref_slice %arg4[%mul3A_2] : memref<204800xf32, #tpu.memory_space<hbm>> -> memref<6400xf32, #tpu.memory_space<hbm>>
    tpu.enqueue_dma source(%dma_start3A_9 : memref<6400xf32, #tpu.memory_space<hbm>>) target(%arg9 : memref<6400xf32, #tpu.memory_space<vmem>>) target_semaphore(%arg13 : memref<!tpu.dma_semaphore, #tpu.memory_space<semaphore_mem>>)
    %dma_wait3A = tpu.memref_slice %arg2[%mul3A_4] : memref<102400xf32, #tpu.memory_space<hbm>> -> memref<6400xf32, #tpu.memory_space<hbm>>
    %dma_wait3A_10 = tpu.memref_slice %arg2[%mul3A_4] : memref<102400xf32, #tpu.memory_space<hbm>> -> memref<6400xf32, #tpu.memory_space<hbm>>
    tpu.wait_dma2 semaphore(%arg11 : memref<!tpu.dma_semaphore, #tpu.memory_space<semaphore_mem>>) src(%dma_wait3A_10 : memref<6400xf32, #tpu.memory_space<hbm>>) dst(%arg7 : memref<6400xf32, #tpu.memory_space<vmem>>)
    "tpu.region"() ({
      %run_scoped3A = tpu.sem_alloc : memref<!tpu.dma_semaphore, #tpu.memory_space<semaphore_mem>>
      %dma_start3A_21 = tpu.memref_slice %arg6[%mul3A_4] : memref<102400xf32, #tpu.memory_space<vmem_shared>> -> memref<6400xf32, #tpu.memory_space<vmem_shared>>
      %dma_start3A_22 = tpu.memref_slice %arg6[%mul3A_4] : memref<102400xf32, #tpu.memory_space<vmem_shared>> -> memref<6400xf32, #tpu.memory_space<vmem_shared>>
      tpu.enqueue_dma source(%arg7 : memref<6400xf32, #tpu.memory_space<vmem>>) target(%dma_start3A_22 : memref<6400xf32, #tpu.memory_space<vmem_shared>>) target_semaphore(%run_scoped3A : memref<!tpu.dma_semaphore, #tpu.memory_space<semaphore_mem>>)
      %dma_wait3A_23 = tpu.memref_slice %arg6[%mul3A_4] : memref<102400xf32, #tpu.memory_space<vmem_shared>> -> memref<6400xf32, #tpu.memory_space<vmem_shared>>
      %dma_wait3A_24 = tpu.memref_slice %arg6[%mul3A_4] : memref<102400xf32, #tpu.memory_space<vmem_shared>> -> memref<6400xf32, #tpu.memory_space<vmem_shared>>
      tpu.wait_dma2 semaphore(%run_scoped3A : memref<!tpu.dma_semaphore, #tpu.memory_space<semaphore_mem>>) src(%arg7 : memref<6400xf32, #tpu.memory_space<vmem>>) dst(%dma_wait3A_24 : memref<6400xf32, #tpu.memory_space<vmem_shared>>)
      tpu.yield
    }) : () -> ()
    %dma_wait3A_11 = tpu.memref_slice %arg3[%mul3A_2] : memref<204800xi32, #tpu.memory_space<hbm>> -> memref<6400xi32, #tpu.memory_space<hbm>>
    %dma_wait3A_12 = tpu.memref_slice %arg3[%mul3A_2] : memref<204800xi32, #tpu.memory_space<hbm>> -> memref<6400xi32, #tpu.memory_space<hbm>>
    tpu.wait_dma2 semaphore(%arg12 : memref<!tpu.dma_semaphore, #tpu.memory_space<semaphore_mem>>) src(%dma_wait3A_12 : memref<6400xi32, #tpu.memory_space<hbm>>) dst(%arg8 : memref<6400xi32, #tpu.memory_space<vmem>>)
    %barrier3A = arith.constant 0 : index
    tpu.barrier barrier_id(%barrier3A)
    %dma_start3A_13 = arith.constant 0 : i32
    %dma_start3A_14 = tpu.memref_slice %arg6[%dma_start3A_13] : memref<102400xf32, #tpu.memory_space<vmem_shared>> -> memref<102400xf32, #tpu.memory_space<vmem_shared>>
    tpu.enqueue_indirect_dma source(%dma_start3A_14 : memref<102400xf32, #tpu.memory_space<vmem_shared>>) target(%arg10 : memref<6400xf32, #tpu.memory_space<vmem>>) offsets(%arg8 : memref<6400xi32, #tpu.memory_space<vmem>>) semaphore(%arg11 : memref<!tpu.dma_semaphore, #tpu.memory_space<semaphore_mem>>)
    %dma_wait3A_15 = arith.constant 0 : i32
    %dma_wait3A_16 = tpu.memref_slice %arg6[%dma_wait3A_15] : memref<102400xf32, #tpu.memory_space<vmem_shared>> -> memref<102400xf32, #tpu.memory_space<vmem_shared>>
    tpu.wait_indirect_dma semaphore(%arg11 : memref<!tpu.dma_semaphore, #tpu.memory_space<semaphore_mem>>) src(%dma_wait3A_16 : memref<102400xf32, #tpu.memory_space<vmem_shared>>) dst(%arg10 : memref<6400xf32, #tpu.memory_space<vmem>>)
    %dma_wait3A_17 = tpu.memref_slice %arg4[%mul3A_2] : memref<204800xf32, #tpu.memory_space<hbm>> -> memref<6400xf32, #tpu.memory_space<hbm>>
    %dma_wait3A_18 = tpu.memref_slice %arg4[%mul3A_2] : memref<204800xf32, #tpu.memory_space<hbm>> -> memref<6400xf32, #tpu.memory_space<hbm>>
    tpu.wait_dma2 semaphore(%arg13 : memref<!tpu.dma_semaphore, #tpu.memory_space<semaphore_mem>>) src(%dma_wait3A_18 : memref<6400xf32, #tpu.memory_space<hbm>>) dst(%arg9 : memref<6400xf32, #tpu.memory_space<vmem>>)
    %parallel_loop3A = arith.constant 0 : i32
    %parallel_loop3A_19 = arith.constant 6400 : i32
    %parallel_loop3A_20 = arith.constant 16 : i32
    scf.for %parallel_loop3A_21 = %parallel_loop3A to %parallel_loop3A_19 step %parallel_loop3A_20  : i32 {
      %parallel_loop3A_22 = arith.index_cast %parallel_loop3A_21 : i32 to index
      %parallel_loop3A_23 = tpu.vector_load %arg10[%parallel_loop3A_22] {strides = array<i32>} : memref<6400xf32, #tpu.memory_space<vmem>>, vector<16xf32>,
      %parallel_loop3A_24 = arith.index_cast %parallel_loop3A_21 : i32 to index
      %parallel_loop3A_25 = tpu.vector_load %arg9[%parallel_loop3A_24] {strides = array<i32>} : memref<6400xf32, #tpu.memory_space<vmem>>, vector<16xf32>,
      %parallel_loop3A_26 = arith.mulf %parallel_loop3A_23, %parallel_loop3A_25 : vector<16xf32>
      %parallel_loop3A_27 = arith.index_cast %parallel_loop3A_21 : i32 to index
      %parallel_loop3A_28 = tpu.vector_load %arg10[%parallel_loop3A_27] {strides = array<i32>} : memref<6400xf32, #tpu.memory_space<vmem>>, vector<16xf32>,
      tpu.vector_store %arg10[%parallel_loop3A_27], %parallel_loop3A_26 {strides = array<i32>} : memref<6400xf32, #tpu.memory_space<vmem>>, vector<16xf32>,
    } {sc.loop_unroll_factor = 8 : i64, sc.parallel_access}
    "tpu.region"() ({
      %run_scoped3A = tpu.sem_alloc : memref<!tpu.dma_semaphore, #tpu.memory_space<semaphore_mem>>
      %dma_start3A_21 = tpu.memref_slice %arg5[%mul3A_2] : memref<204800xf32, #tpu.memory_space<hbm>> -> memref<6400xf32, #tpu.memory_space<hbm>>
      %dma_start3A_22 = tpu.memref_slice %arg5[%mul3A_2] : memref<204800xf32, #tpu.memory_space<hbm>> -> memref<6400xf32, #tpu.memory_space<hbm>>
      tpu.enqueue_dma source(%arg10 : memref<6400xf32, #tpu.memory_space<vmem>>) target(%dma_start3A_22 : memref<6400xf32, #tpu.memory_space<hbm>>) target_semaphore(%run_scoped3A : memref<!tpu.dma_semaphore, #tpu.memory_space<semaphore_mem>>)
      %dma_wait3A_23 = tpu.memref_slice %arg5[%mul3A_2] : memref<204800xf32, #tpu.memory_space<hbm>> -> memref<6400xf32, #tpu.memory_space<hbm>>
      %dma_wait3A_24 = tpu.memref_slice %arg5[%mul3A_2] : memref<204800xf32, #tpu.memory_space<hbm>> -> memref<6400xf32, #tpu.memory_space<hbm>>
      tpu.wait_dma2 semaphore(%run_scoped3A : memref<!tpu.dma_semaphore, #tpu.memory_space<semaphore_mem>>) src(%arg10 : memref<6400xf32, #tpu.memory_space<vmem>>) dst(%dma_wait3A_24 : memref<6400xf32, #tpu.memory_space<hbm>>)
      tpu.yield
    }) : () -> ()
    return
  }
}

module attributes {stable_mosaic.version = 14 : i64} {
  func.func @body(%arg0: i32, %arg1: memref<64x25600xf32, #tpu.memory_space<vmem>>, %arg2: memref<102400xf32, #tpu.memory_space<any>>, %arg3: memref<25600xf32, #tpu.memory_space<vmem>>, %arg4: memref<!tpu.dma_semaphore, #tpu.memory_space<semaphore_mem>>) attributes {dimension_semantics = [#tpu.dimension_semantics<arbitrary>], iteration_bounds = array<i64: 4>, scalar_prefetch = 0 : i64, scratch_operands = 2 : i64, tpu.core_type = #tpu.core_type<tc>, window_params = [{transform_indices = @transform_0, window_bounds = array<i64: 64, 25600>}, {}]} {
    %get3A = arith.constant 0 : index
    %get3A_0 = arith.constant 0 : index
    %get3A_1 = vector.load %arg1[%get3A, %get3A_0] : memref<64x25600xf32, #tpu.memory_space<vmem>>, vector<64x25600xf32>
    %reduce_sum3A = arith.constant dense<0.000000e+00> : vector<25600xf32>
    %reduce_sum3A_2 = vector.multi_reduction <add>, %get3A_1, %reduce_sum3A [0] : vector<64x25600xf32> to vector<25600xf32>
    %swap3A = arith.constant 0 : index
    %swap3A_3 = vector.load %arg3[%swap3A] : memref<25600xf32, #tpu.memory_space<vmem>>, vector<25600xf32>
    tpu.vector_store %arg3[%swap3A], %reduce_sum3A_2 {strides = array<i32>} : memref<25600xf32, #tpu.memory_space<vmem>>, vector<25600xf32>,
    %mul3A = arith.constant 25600 : i32
    %mul3A_4 = arith.muli %arg0, %mul3A : i32
    %dma_start3A = tpu.memref_slice %arg2[%mul3A_4] : memref<102400xf32, #tpu.memory_space<any>> -> memref<25600xf32, #tpu.memory_space<any>>
    tpu.enqueue_dma source(%arg3 : memref<25600xf32, #tpu.memory_space<vmem>>) target(%dma_start3A : memref<25600xf32, #tpu.memory_space<any>>) target_semaphore(%arg4 : memref<!tpu.dma_semaphore, #tpu.memory_space<semaphore_mem>>)
    %dma_wait3A = tpu.memref_slice %arg2[%mul3A_4] : memref<102400xf32, #tpu.memory_space<any>> -> memref<25600xf32, #tpu.memory_space<any>>
    tpu.wait_dma2 semaphore(%arg4 : memref<!tpu.dma_semaphore, #tpu.memory_space<semaphore_mem>>) src(%arg3 : memref<25600xf32, #tpu.memory_space<vmem>>) dst(%dma_wait3A : memref<25600xf32, #tpu.memory_space<any>>)
    return
  }
  func.func @transform_0(%arg0: i32) -> (i32, i32) {
    %c0_i32 = arith.constant 0 : i32
    %c0_i32_0 = arith.constant 0 : i32
    return %c0_i32, %arg0 : i32, i32
  }
}

</mosaic_0001>

<sc_bundles>
// kernel: kernel.4.cloned.1.call-start
scs
__scs_entry_jumppad:
0x0: {  	(pc) =	sbr.rel $0x88, $3  }
0x1: {  	(tag) =	ssettag $0x0;
	lr =	simm.s32 $0x1  }
0x2: {  	[smem:$0x3F9E] =	sst lr;
	_ =	strace $0xD0000000  }
0x3: {  	_ = 	snop  }
0x4: {  	_ = 	snop  }
0x5: {  	_ = 	snop  }
0x6: {  	_ = 	snop  }
0x7: {  	_ = 	snop  }
__scs_overlays_trampoline_lowered:
0x8: {  	[smem:$0x3FAD] =	sst s0  }
0x9: {  	[smem:$0x3FAE] =	sst s1  }
0xa: {  	[smem:$0x3FAF] =	sst s2  }
0xb: {  	[smem:$0x3FB0] =	sst s3  }
0xc: {  	[smem:$0x3FB1] =	sst s4  }
0xd: {  	[smem:$0x3FB2] =	sst s5  }
0xe: {  	[smem:$0x3FB3] =	sst s6  }
0xf: {  	[smem:$0x3FB4] =	sst s7  }
0x10: {  	[smem:$0x3FB5] =	sst s8  }
0x11: {  	[smem:$0x3FB6] =	sst s9;
	s0 =	simm.s32 @!p0 $0x0  }
0x12: {  	s1 =	sld [smem:$0x3F9C];
	s0 =	simm.s32 @p0 $0x1  }
0x13: {  	[smem:$0x3FB7] =	sst s0;
	s0 =	simm.s32 @!p1 $0x0  }
0x14: {  	s2 =	sld [smem:$0x3F9B];
	s0 =	simm.s32 @p1 $0x1  }
0x15: {  	[smem:$0x3FB8] =	sst s0;
	s0 =	simm.s32 @!p2 $0x0  }
0x16: {  	s3 =	sld [smem:$0x3FDB];
	s0 =	simm.s32 @p2 $0x1  }
0x17: {  	s4 =	simm.s32 $0x1BF5;
	[smem:$0x3FBA] =	sst s0  }
0x18: {  	s0 =	sld [smem:$0x3F9D];
	_ =	swait.ge [sflag:s4], $0x0  }
0x19: {  	s7 =	sld [smem:$0x3F9E]  }
0x1a: {  	s8 =	sadd.s32 $0xFFFFE003, lr  }
0x1b: {  	s9 =	sadd.s32 $0xFFFFFEF7, lr;
	s5 =	simm.s32 $0xFFFFFFFF;
	p2 =	slt.u32 s8, $0xFFFFF086  }
0x1c: {  	p1 =	slt.u32 s9, $0xF7A;
	s5 =	simm.s32 @!p2 $0x0  }
0x1d: {  	s5 =	simm.s32 @p1 $0x1;
	p0 =	seq.s32 s7, s2  }
0x1e: {  	s7 =	smul.u32 @!p0 $0xF7A, s2;
	p2 =	seq.s32 @!p0 s5, $0x0  }
0x1f: {  	s9 =	smul.u32 $0xF7A, s1;
	s8 =	simm.s32 @!p0 $0x1BF5;
	p2 =	por !p2, p0  }
0x20: {  	[sflag:s8] =	ssyncset.s32 @!p0 $0xFFFFF086;
	s6 =	sadd.s32 @!p0 s3, s7;
	s7 =	simm.s32 @!p0 $0x108  }
0x21: {  	s3 =	sadd.s32 s3, s9;
	s6 =	sadd.s32 @!p0 $0x88, s6;
	s7 =	simm.s32 @p2 $0x1082  }
0x22: {  	[simem:s7], [sflag:s8] =	dma.local @!p0 [hbm:s6], $0xF7A  }
0x23: {  	s9 =	sor.u32 $0xD0000000, s2;
	s6 =	simm.s32 $0x108;
	_ =	swait.ge @!p0 [sflag:s8], $0x0  }
0x24: {  	s3 =	sadd.s32 $0x88, s3;
	s6 =	simm.s32 @!p1 $0x1082;
	[sflag:s4] =	ssyncset.s32 $0xFFFFF086  }
0x25: {  	[simem:s6], [sflag:s4] =	dma.local [hbm:s3], $0xF7A  }
0x26: {  	[smem:$0x3F9E] =	sst s1;
	(tag) =	ssettag s2;
	_ =	strace s9  }
0x27: {  	s1 =	sld [smem:$0x3FAE]  }
0x28: {  	s2 =	sld [smem:$0x3FAF]  }
0x29: {  	s4 =	sld [smem:$0x3FB1]  }
0x2a: {  	p0 =	seq.s32 s5, $0x0;
	s5 =	sld [smem:$0x3FB2]  }
0x2b: {  	s6 =	sld [smem:$0x3FB3]  }
0x2c: {  	s7 =	sld [smem:$0x3FB4]  }
0x2d: {  	s3 =	simm.s32 $0x108;
	s8 =	sld [smem:$0x3FB5]  }
0x2e: {  	s3 =	simm.s32 @!p0 $0x1082;
	s9 =	sld [smem:$0x3FB6]  }
0x2f: {  	lr =	sadd.s32 s0, s3;
	s0 =	sld [smem:$0x3FAD]  }
0x30: {  	s3 =	sld [smem:$0x3FB0]  }
0x31: {  	[smem:$0x3FB9] =	sst s10  }
0x32: {  	s10 =	sld [smem:$0x3FB7];
	_ =	sdelay $0x3  }
0x33: {  	p0 =	seq.s32 s10, $0x1;
	s10 =	sld [smem:$0x3FB9];
	_ =	sdelay $0x3  }
0x34: {  	[smem:$0x3FB9] =	sst s10  }
0x35: {  	s10 =	sld [smem:$0x3FB8];
	_ =	sdelay $0x3  }
0x36: {  	p1 =	seq.s32 s10, $0x1;
	s10 =	sld [smem:$0x3FB9];
	_ =	sdelay $0x3  }
0x37: {  	[smem:$0x3FB9] =	sst s10  }
0x38: {  	s10 =	sld [smem:$0x3FBA]  }
0x39: {  	_ = 	snop;
	(pc) =	sbr.ind lr, $3  }
0x3a: {  	_ = 	snop  }
0x3b: {  	_ = 	snop  }
0x3c: {  	p2 =	seq.s32 s10, $0x1;
	s10 =	sld [smem:$0x3FB9]  }
0x3d: {  	_ =	shalt  }
0x3e: {  	_ =	shalt  }
0x3f: {  	_ =	shalt  }
0x40: {  	_ =	shalt  }
0x41: {  	_ =	shalt  }
0x42: {  	_ =	shalt  }
0x43: {  	_ =	shalt  }
0x44: {  	_ =	shalt  }
0x45: {  	_ =	shalt  }
0x46: {  	_ =	shalt  }
0x47: {  	_ =	shalt  }
0x48: {  	_ =	shalt  }
0x49: {  	_ =	shalt  }
0x4a: {  	_ =	shalt  }
0x4b: {  	_ =	shalt  }
0x4c: {  	_ =	shalt  }
0x4d: {  	_ =	shalt  }
0x4e: {  	_ =	shalt  }
0x4f: {  	_ =	shalt  }
0x50: {  	_ =	shalt  }
0x51: {  	_ =	shalt  }
0x52: {  	_ =	shalt  }
0x53: {  	_ =	shalt  }
0x54: {  	_ =	shalt  }
0x55: {  	_ =	shalt  }
0x56: {  	_ =	shalt  }
0x57: {  	_ =	shalt  }
0x58: {  	_ =	shalt  }
0x59: {  	_ =	shalt  }
0x5a: {  	_ =	shalt  }
0x5b: {  	_ =	shalt  }
0x5c: {  	_ =	shalt  }
0x5d: {  	_ =	shalt  }
0x5e: {  	_ =	shalt  }
0x5f: {  	_ =	shalt  }
0x60: {  	_ =	shalt  }
0x61: {  	_ =	shalt  }
0x62: {  	_ =	shalt  }
0x63: {  	_ =	shalt  }
0x64: {  	_ =	shalt  }
0x65: {  	_ =	shalt  }
0x66: {  	_ =	shalt  }
0x67: {  	_ =	shalt  }
0x68: {  	_ =	shalt  }
0x69: {  	_ =	shalt  }
0x6a: {  	_ =	shalt  }
0x6b: {  	_ =	shalt  }
0x6c: {  	_ =	shalt  }
0x6d: {  	_ =	shalt  }
0x6e: {  	_ =	shalt  }
0x6f: {  	_ =	shalt  }
0x70: {  	_ =	shalt  }
0x71: {  	_ =	shalt  }
0x72: {  	_ =	shalt  }
0x73: {  	_ =	shalt  }
0x74: {  	_ =	shalt  }
0x75: {  	_ =	shalt  }
0x76: {  	_ =	shalt  }
0x77: {  	_ =	shalt  }
0x78: {  	_ =	shalt  }
0x79: {  	_ =	shalt  }
0x7a: {  	_ =	shalt  }
0x7b: {  	_ =	shalt  }
0x7c: {  	_ =	shalt  }
0x7d: {  	_ =	shalt  }
0x7e: {  	_ =	shalt  }
0x7f: {  	_ =	shalt  }
0x80: {  	_ =	shalt  }
0x81: {  	_ =	shalt  }
0x82: {  	_ =	shalt  }
0x83: {  	_ =	shalt  }
0x84: {  	_ =	shalt  }
0x85: {  	_ =	shalt  }
0x86: {  	_ =	shalt  }
0x87: {  	_ =	shalt  }
.Lfunc_end0:
.L_simem_size_0:
called_computation_lowered:
.L_overlay_start_0:
0x88: {  	s2 =	sld [smem:$0x3FD9]  }
0x89: {  	s3 =	sld [smem:$0x3FFE];
	_ =	sdelay $0x1  }
0x8a: {  	s1 =	srdreg.scid  }
0x8b: {  	s0 =	sand.u32 $0x1, s1  }
0x8c: {  	s17 =	sshll.u32 s0, $0xA;
	s2 =	sadd.s32 s3, s2  }
0x8d: {  	s2 =	sadd.s32 s2, s17  }
0x8e: {  	[smem:$0x3FC5] =	sst s2  }
0x8f: {  	_ = 	snop  }
0x90: {  	s2 =	sld [smem:$0x3FC8]  }
0x91: {  	s18 =	sld [smem:$0x3FD0];
	(tm) =	ssettm $0x1  }
0x92: {  	s4 =	sld [smem:$0x3FFB];
	_ =	sdelay $0x3  }
0x93: {  	_ =	strace s4  }
0x94: {  	s4 =	sld [smem:$0x3FFC];
	_ =	sdelay $0x3  }
0x95: {  	_ =	strace s4  }
0x96: {  	s4 =	sld [smem:$0x3FFD];
	_ =	sdelay $0x3  }
0x97: {  	_ =	strace s4  }
0x98: {  	_ =	strace $0x8FFFFFFF  }
0x99: {  	s19 =	sld [smem:$0x3FDB];
	_ =	sdelay $0x1  }
0x9a: {  	s5 =	simm.s32 $_scs_section_size  }
0x9b: {  	s6 =	simm.s32 $_size__tile_overlayer_lowered;
	s7 =	simm.s32 $_tile_overlayer_lowered  }
0x9c: {  	s22 =	simm.s32 $0x1BFF;
	s21 =	sshll.u32 s7, $0x1;
	s4 =	sadd.s32 s5, s19  }
0x9d: {  	s8 =	simm.s32 $0x0;
	s20 =	sshll.u32 s6, $0x1;
	s6 =	sadd.s32 s21, s4  }
0x9e: {  	[timem:s8], [sflag:s22] =	dma.local [hbm:s6], s20  }
0x9f: {  	_ =	swait.ge [sflag:s22], s20  }
0xa0: {  	s5 =	ssub.s32 $0x0, s20;
	[sflag:s22] =	ssyncset.done $0x0  }
0xa1: {  	[sflag:s22] =	ssyncadd.s32 s5;
	_ =	sdelay $0x1  }
0xa2: {  	s23 =	simm.s32 $0x1B8B  }
0xa3: {  	_ =	swait.ge [sflag:s23], $0x1  }
0xa4: {  	[sflag:s23] =	ssyncset.done $0x0  }
0xa5: {  	s25 =	simm.s32 $0x1B8E;
	s24 =	sld [smem:$0x3FFE];
	[sflag:s23] =	ssyncadd.s32 $0xFFFFFFFF  }
0xa6: {  	s26 =	simm.s32 $execute0_lowered;
	[smem:$0x3FD2] =	sst s25  }
0xa7: {  	s6 =	sshll.u32 s26, $0x1;
	_ =	strace $0x80000046;
	[dreg:$0x1] =	wrdreg $0xFFFFFFFF  }
0xa8: {  	s28 =	simm.s32 $_size_execute0_lowered;
	s4 =	sadd.s32 s4, s6;
	[dreg:$0x0] =	wrdreg $0x0  }
0xa9: {  	s6 =	sshll.u32 s28, $0x1;
	[dreg:$0x2] =	wrdreg s4  }
0xaa: {  	[dreg:$0x3] =	wrdreg s6  }
0xab: {  	[dreg:$0x4] =	wrdreg $0xC0  }
0xac: {  	_ =	task [dreg:s8], $0x5FFFF  }
0xad: {  	[dreg:$0x1] =	wrdreg $0xFFFFFFFF  }
0xae: {  	[dreg:$0x0] =	wrdreg $0x60  }
0xaf: {  	[dreg:$0x2] =	wrdreg s24  }
0xb0: {  	[dreg:$0x3] =	wrdreg s18  }
0xb1: {  	[dreg:$0x4] =	wrdreg s2  }
0xb2: {  	[dreg:$0x5] =	wrdreg $0x0  }
0xb3: {  	[dreg:$0x6] =	wrdreg $0x9  }
0xb4: {  	_ =	task.clear_ibuf [dreg:s8], $0x7FFFF;
	_ =	strace $0x90000046  }
0xb5: {  	s29 =	simm.s32 $0x9;
	_ =	strace $0x80000048  }
0xb6: {  	_ =	swait.ge [sflag:s29], $0x1  }
0xb7: {  	[sflag:s29] =	ssyncadd.s32 $0xFFFFFFFF  }
0xb8: {  	_ =	strace $0x90000048  }
0xb9: {  	_ =	sfence  }
0xba: {  	s30 =	sld [smem:$0x0];
	_ =	sdelay $0x2  }
0xbb: {  	s31 =	sshll.u32 s1, $0xD;
	s1 =	sshrl.u32 s1, $0x2  }
0xbc: {  	s3 =	sand.u32 $0x4000, s31;
	s1 =	sadd.s32 s1, s30  }
0xbd: {  	s0 =	sor.u32 s3, s0;
	s1 =	sshll.u32 s1, $0x11  }
0xbe: {  	s0 =	sor.u32 s1, s0  }
0xbf: {  	s0 =	sadd.s32 $0x8F2B, s0  }
0xc0: {  	[sflag:s0] =	ssyncadd.remote.s32 $0x1  }
0xc1: {  	_ =	sfence.sel $0xFFFF  }
0xc2: {  	[dreg:$0x0] =	wrdreg $0xFFFFFFFF;
	(pc) =	sbr.abs _section_cstart, $3  }
0xc3: {  	[dreg:$0x1] =	wrdreg $0xFFFFFFFF  }
0xc4: {  	_ =	task.clear_ibuf [dreg:s8], $0x2FFFF;
	_ =	strace $0x9FFFFFFF  }
0xc5: {  	(tm) =	ssettm $0x7FFFFFFF  }
tec
execute0_lowered:
.L_overlay_start_1:
0x0: {  	(tag) =	ssettag $0x1  }
0x1: {  	s4 =	rddreg [dreg:$0x0]  }
0x2: {  	s5 =	rddreg [dreg:$0x1]  }
0x3: {  	s6 =	rddreg [dreg:$0x2]  }
0x4: {  	s2 =	rddreg [dreg:$0x3]  }
0x5: {  	s1 =	stileid.u32;
	s3 =	srdreg.scid  }
0x6: {  	s0 =	rddreg [dreg:$0x4];
	s13 =	simm.s32 $0x1;
	s14 =	simm.s32 $0x4  }
0x7: {  	s15 =	simm.s32 $0x2;
	s16 =	simm.s32 $0x6400;
	s17 =	simm.s32 $0x3  }
0x8: {  	s18 =	simm.s32 $0x0;
	s7 =	sand.u32 $0x1, s3;
	s8 =	sshll.u32 s1, $0x1  }
0x9: {  	s3 =	simm.s32 $0x0;
	s9 =	smul.u32 $0x1900, s1;
	s8 =	sor.u32 s7, s8  }
0xa: {  	[smem:$0x7FF] =	sst s3;
	s7 =	ssub.s32 $0x2, s7;
	s8 =	smul.u32 $0x320, s8  }
0xb: {  	_ =	strace $0x80000047;
	s10 =	sshrl.u32 s9, $0x3;
	s11 =	sshrl.u32 s7, $0x1  }
0xc: {  	s10 =	sadd.s32 s10, s4;
	s11 =	ssub.s32 s7, s11;
	s7 =	sadd.s32 s9, s2  }
0xd: {  	s12 =	sadd.s32 s8, s4;
	s4 =	sadd.s32 $0x800, s10;
	s5 =	sadd.s32 s5, s8  }
0xe: {  	s6 =	sadd.s32 s6, s8;
	s9 =	smax.u32 s11, $0x1;
	s10 =	simm.s32 $0x1900  }
0xf: {  	s11 =	simm.s32 $0x3200;
	s8 =	sadd.s32 $0x3A00, s12;
	s12 =	simm.s32 $0x4B00  }
.LBB2_1:
0x10: {  	[tilespmem:s10], [sflag:$0x1] =	stream.linear.gather [hbm4b:s4+s3], $0x1900, $0x38;
	[tilespmem:$0x7D00] =	vst v63  }
0x11: {  	_ = 	snop  }
0x12: {  	[tilespmem:s11], [sflag:$0x2] =	stream.linear.gather [hbm4b:s5+s3], $0x1900, $0x38;
	[tilespmem:$0x7D00] =	vst v63  }
0x13: {  	_ = 	snop  }
0x14: {  	[tilespmem:s12], [sflag:$0x3] =	stream.linear.gather [hbm4b:s6+s3], $0x1900, $0x38;
	[tilespmem:$0x7D00] =	vst v63  }
0x15: {  	_ =	swait.ge [sflag:s13], $0x1900  }
0x16: {  	[sflag:s13] =	ssyncset.done $0x0  }
0x17: {  	[sflag:s13] =	ssyncadd.s32 $0xFFFFE700  }
0x18: {  	[spmem:s7] =	stream.linear.scatter [tilespmem:s10], [sflag:$0x4], $0x1900, $0x38;
	[tilespmem:$0x7D00] =	vst v63  }
0x19: {  	_ =	swait.ge [sflag:s14], $0x1900  }
0x1a: {  	[sflag:s14] =	ssyncset.done $0x0  }
0x1b: {  	[sflag:s14] =	ssyncadd.s32 $0xFFFFE700  }
0x1c: {  	_ =	swait.ge [sflag:s15], $0x1900  }
0x1d: {  	[sflag:s15] =	ssyncset.done $0x0  }
0x1e: {  	[sflag:s15] =	ssyncadd.s32 $0xFFFFE700  }
0x1f: {  	[bflag:$0x0] =	sbarrier.arrive $0xFFFF  }
0x20: {  	[tilespmem:s16], [sflag:$0x1] =	stream.indirect.gather [spmem:s2], $0x1, s11, s10, $0xb8;
	[tilespmem:$0x7D00] =	vst v63  }
0x21: {  	_ =	swait.ge [sflag:s13], $0x1900  }
0x22: {  	[sflag:s13] =	ssyncset.done $0x0  }
0x23: {  	[sflag:s13] =	ssyncadd.s32 $0xFFFFE700  }
0x24: {  	_ =	swait.ge [sflag:s17], $0x1900  }
0x25: {  	[sflag:s17] =	ssyncset.done $0x0  }
0x26: {  	s19 =	simm.s32 $0x6440;
	[sflag:s17] =	ssyncadd.s32 $0xFFFFE700  }
0x27: {  	s20 =	simm.s32 $0x4B40;
	v1 =	vld [tilespmem:s19+$0x30]  }
0x28: {  	v2 =	vld [tilespmem:s20+$0x30]  }
0x29: {  	v0 =	vld [tilespmem:s20+$0xFFFFFFC0]  }
0x2a: {  	v3 =	vld [tilespmem:s19+$0xFFFFFFD0]  }
0x2b: {  	v4 =	vld [tilespmem:s20+$0xFFFFFFD0]  }
0x2c: {  	v5 =	vld [tilespmem:s19+$0xFFFFFFE0]  }
0x2d: {  	v6 =	vld [tilespmem:s20+$0xFFFFFFE0]  }
0x2e: {  	v7 =	vld [tilespmem:s19+$0xFFFFFFF0]  }
0x2f: {  	v8 =	vld [tilespmem:s20+$0xFFFFFFF0]  }
0x30: {  	v9 =	vld [tilespmem:s19+$0x0]  }
0x31: {  	v10 =	vld [tilespmem:s20+$0x0];
	v2 =	vmul.f32 v2, v1  }
0x32: {  	v4 =	vmul.f32 v4, v3;
	v1 =	vld [tilespmem:s19+$0x10]  }
0x33: {  	v5 =	vmul.f32 v6, v5;
	v3 =	vld [tilespmem:s20+$0x10];
	[tilespmem:s19+$0x30] =	vst v2  }
0x34: {  	v6 =	vmul.f32 v8, v7;
	[tilespmem:s19+$0xFFFFFFD0] =	vst v4;
	v2 =	vld [tilespmem:s19+$0x20]  }
0x35: {  	[tilespmem:s19+$0xFFFFFFE0] =	vst v5;
	v5 =	vld [tilespmem:s20+$0x20]  }
0x36: {  	s21 =	simm.s32 $0x0;
	s22 =	simm.s32 $0x64C0;
	v4 =	vld [tilespmem:s19+$0xFFFFFFC0];
	[tilespmem:s19+$0xFFFFFFF0] =	vst v6;
	v6 =	vmul.f32 v10, v9  }
.LBB2_2:
0x37: {  	v7 =	vld [tilespmem:s22+$0x30];
	s20 =	sadd.s32 $0x80, s20  }
0x38: {  	s21 =	sadd.s32 $0x80, s21;
	v8 =	vld [tilespmem:s20+$0x30];
	[tilespmem:s19+$0x0] =	vst v6;
	v1 =	vmul.f32 v3, v1  }
0x39: {  	p0 =	slt.u32 s21, $0x1880;
	v3 =	vld [tilespmem:s20+$0xFFFFFFC0]  }
0x3a: {  	v6 =	vld [tilespmem:s22+$0xFFFFFFD0];
	[tilespmem:s19+$0x10] =	vst v1;
	v1 =	vmul.f32 v5, v2  }
0x3b: {  	v2 =	vld [tilespmem:s20+$0xFFFFFFD0];
	v9 =	vmul.f32 v0, v4  }
0x3c: {  	v4 =	vld [tilespmem:s22+$0xFFFFFFE0];
	[tilespmem:s19+$0x20] =	vst v1  }
0x3d: {  	v1 =	vld [tilespmem:s20+$0xFFFFFFE0];
	v5 =	vmul.f32 v8, v7;
	[tilespmem:s19+$0xFFFFFFC0] =	vst v9;
	s19 =	smov.u32 s22  }
0x3e: {  	v7 =	vld [tilespmem:s22+$0xFFFFFFF0];
	v0 =	vmov v3  }
0x3f: {  	v8 =	vld [tilespmem:s20+$0xFFFFFFF0];
	[tilespmem:s22+$0x30] =	vst v5  }
0x40: {  	v2 =	vmul.f32 v2, v6;
	v6 =	vld [tilespmem:s22+$0x0]  }
0x41: {  	v9 =	vld [tilespmem:s20+$0x0]  }
.Ltmp0:
0x42: {  	[tilespmem:s22+$0xFFFFFFD0] =	vst v2;
	v2 =	vmul.f32 v1, v4;
	v1 =	vld [tilespmem:s22+$0x10];
	(pc) =	sbr.rel @p0 .LBB2_2-.Ltmp0, $4  }
0x43: {  	v3 =	vld [tilespmem:s20+$0x10]  }
0x44: {  	[tilespmem:s22+$0xFFFFFFE0] =	vst v2;
	v7 =	vmul.f32 v8, v7;
	v2 =	vld [tilespmem:s22+$0x20]  }
0x45: {  	v5 =	vld [tilespmem:s20+$0x20]  }
0x46: {  	s22 =	sadd.s32 $0x80, s22;
	v4 =	vld [tilespmem:s19+$0xFFFFFFC0];
	[tilespmem:s19+$0xFFFFFFF0] =	vst v7;
	v6 =	vmul.f32 v9, v6  }
0x47: {  	_ =	sdelay $0x1  }
0x48: {  	v1 =	vmul.f32 v3, v1  }
0x49: {  	[tilespmem:s19+$0x0] =	vst v6;
	v2 =	vmul.f32 v5, v2  }
0x4a: {  	s18 =	sadd.s32 $0x1, s18;
	[tilespmem:s19+$0x10] =	vst v1;
	v0 =	vmul.f32 v0, v4  }
0x4b: {  	p0 =	sne.s32 s18, s9;
	[tilespmem:s19+$0x20] =	vst v2  }
.Ltmp1:
0x4c: {  	[tilespmem:s19+$0xFFFFFFC0] =	vst v0;
	(pc) =	sbr.rel @p0 .LBB2_1-.Ltmp1, $4  }
0x4d: {  	[hbm4b:s8+s3] =	stream.linear.scatter [tilespmem:s16], [sflag:$0x4], $0x1900, $0x38;
	[tilespmem:$0x7D00] =	vst v63  }
0x4e: {  	_ =	swait.ge [sflag:s14], $0x1900  }
0x4f: {  	[sflag:s14] =	ssyncset.done $0x0  }
0x50: {  	[sflag:s14] =	ssyncadd.s32 $0xFFFFE700  }
0x51: {  	_ =	sfence.sel $0x180000  }
0x52: {  	[bflag:$0x0] =	sbarrier.arrive $0xFFFF  }
0x53: {  	p0 =	sne.s32 s1, $0x0;
	_ =	strace $0x90000047  }
0x54: {  	s0 =	sadd.s32 @!p0 $0x100000, s0;
	[bflag:$0x2] =	sbarrier.arrive $0xFFFF  }
0x55: {  	[sflag:s0] =	ssyncadd.tile.s32 @!p0 $0x1;
	_ =	shalt  }
.Lfunc_end2:
_tile_overlayer_lowered:
.L_overlay_start_2:
0x56: {  	(tag) =	ssettag $0x2  }
0x57: {  	s0 =	rddreg [dreg:$0x0];
	s2 =	stileid.u32  }
0x58: {  	s1 =	rddreg [dreg:$0x1];
	p0 =	sne.s32 s2, $0x0  }
0x59: {  	s3 =	rddreg [dreg:$0x2];
	[bflag:$0x3] =	sbarrier.arrive $0xFFFF;
	s2 =	simm.s32 @!p0 $0x1C04  }
0x5a: {  	[timem:s3], [sflag:s2] =	dma.local @!p0 [hbm:s0], s1  }
0x5b: {  	s0 =	simm.s32 @!p0 $0x4  }
0x5c: {  	_ =	swait.ge @!p0 [sflag:s0], s1  }
0x5d: {  	s1 =	ssub.s32 @!p0 $0x0, s1;
	[sflag:s0] =	ssyncset.done @!p0 $0x0  }
0x5e: {  	[sflag:s0] =	ssyncadd.s32 @!p0 s1  }
0x5f: {  	[bflag:$0x3] =	sbarrier.arrive $0xFFFF  }
0x60: {  	_ =	shalt  }

</sc_bundles>
